<compile_context>
chip_gen: v7x
topology: tpu7x:2x2x1
jax: 0.10.2.dev20260603
libtpu: 0.0.44.dev20260713+nightly
codegen_flags: <defaults>
</compile_context>

<pallas_src>
import functools

import jax
import jax.numpy as jnp
from jax import lax
from jax.experimental import pallas as pl
from jax.experimental.pallas import tpu as pltpu
from jax.experimental.pallas import tpu_sc as plsc

B = 16384
EMB = 64
NUM_CORES = 2
NUM_SUBCORES = 16
NW = NUM_CORES * NUM_SUBCORES
BPW = B // NW


def _sc_gather(ids, table):
    mesh = plsc.VectorSubcoreMesh(core_axis_name="c", subcore_axis_name="s")

    @functools.partial(
        pl.kernel,
        mesh=mesh,
        out_type=jax.ShapeDtypeStruct((B, 2 * EMB), jnp.float32),
        scratch_types=[
            pltpu.VMEM((BPW,), jnp.int32),
            pltpu.VMEM((BPW, 2 * EMB), jnp.float32),
            pltpu.SemaphoreType.DMA,
        ],
    )
    def k(ids_hbm, tab_hbm, out_hbm, idx, buf, sem):
        wid = lax.axis_index("s") * NUM_CORES + lax.axis_index("c")
        base = wid * BPW
        rows = pl.ds(base, BPW)
        pltpu.sync_copy(ids_hbm.at[rows], idx)
        pltpu.async_copy(tab_hbm.at[idx], buf, sem).wait()
        pltpu.sync_copy(buf, out_hbm.at[rows])

    return k(ids, table)


def _tc_mlp_final(u, i_rows, W1, b1, W2, b2, W3, b3, Wp, bp):
    w1u = W1[:, :EMB].T
    w1i = W1[:, EMB:].T
    w2t = W2.T
    w3t = W3.T
    wpg = Wp[:, :EMB]
    wpx = Wp[:, EMB:]
    b1r = b1.reshape(1, -1)
    b2r = b2.reshape(1, -1)
    b3r = b3.reshape(1, -1)
    bpr = jnp.reshape(bp, (1, 1))

    BLK = 2048
    h0 = W1.shape[0]
    h1 = W2.shape[0]
    h2 = W3.shape[0]

    def body(u_ref, i_ref, w1u_ref, w1i_ref, b1_ref, w2_ref, b2_ref,
             w3_ref, b3_ref, wpg_ref, wpx_ref, bp_ref, out_ref):
        uu = u_ref[...]
        ii = i_ref[...]
        um = uu[:, EMB:]
        im = ii[:, EMB:]
        gmf = uu[:, :EMB] * ii[:, :EMB]
        x = jnp.dot(um, w1u_ref[...], preferred_element_type=jnp.float32)
        x = x + jnp.dot(im, w1i_ref[...], preferred_element_type=jnp.float32)
        x = jnp.maximum(x + b1_ref[...], 0.0)
        x = jnp.dot(x, w2_ref[...], preferred_element_type=jnp.float32)
        x = jnp.maximum(x + b2_ref[...], 0.0)
        x = jnp.dot(x, w3_ref[...], preferred_element_type=jnp.float32)
        x = jnp.maximum(x + b3_ref[...], 0.0)
        logit = (jnp.sum(gmf * wpg_ref[...], axis=1, keepdims=True)
                 + jnp.sum(x * wpx_ref[...], axis=1, keepdims=True)
                 + bp_ref[0, 0])
        out_ref[...] = 1.0 / (1.0 + jnp.exp(-logit))

    full = lambda r, c: pl.BlockSpec((r, c), lambda i: (0, 0))
    out = pl.pallas_call(
        body,
        grid=(B // BLK,),
        in_specs=[
            pl.BlockSpec((BLK, 2 * EMB), lambda i: (i, 0)),
            pl.BlockSpec((BLK, 2 * EMB), lambda i: (i, 0)),
            full(EMB, h0),
            full(EMB, h0),
            full(1, h0),
            full(h0, h1),
            full(1, h1),
            full(h1, h2),
            full(1, h2),
            full(1, EMB),
            full(1, h2),
            full(1, 1),
        ],
        out_specs=pl.BlockSpec((BLK, 1), lambda i: (i, 0)),
        out_shape=jax.ShapeDtypeStruct((B, 1), jnp.float32),
    )(u, i_rows, w1u, w1i, b1r, w2t, b2r, w3t, b3r, wpg, wpx, bpr)
    return jnp.squeeze(out, axis=-1)


def kernel(user_ids, item_ids, Ug, Ig, Um, Im, W1, b1, W2, b2, W3, b3, Wp, bp):
    uid = user_ids.astype(jnp.int32)
    iid = item_ids.astype(jnp.int32)
    p1 = jnp.concatenate([Ug, Um], axis=1)
    u = _sc_gather(uid, p1)
    p2 = jnp.concatenate([Ig, Im], axis=1)
    i_rows = _sc_gather(iid, p2)
    return _tc_mlp_final(u, i_rows, W1, b1, W2, b2, W3, b3, Wp, bp)

# --- scband reference (transcript-rebuilt; emitter-appended) ---
"""Pipeline reference for scband-ncfmodel-8022998909607 (READ-ONLY COPY).

The authoritative reference and input builder live on the scoring server;
editing this copy changes nothing except your own understanding.
"""

import jax, jax.numpy as jnp
import numpy as np

NUM_USERS = 100000
NUM_ITEMS = 100000
EMB = 64
HID = [128, 64, 32]
BATCH = 16384


def setup_inputs(seed: int = 0) -> dict:
    key = jax.random.key(seed)
    ks = jax.random.split(key, 16)
    user_ids = jax.random.randint(ks[0], (BATCH,), 0, NUM_USERS)
    item_ids = jax.random.randint(ks[1], (BATCH,), 0, NUM_ITEMS)
    Ug = jax.random.normal(ks[2], (NUM_USERS, EMB), dtype=jnp.float32) * 0.01
    Ig = jax.random.normal(ks[3], (NUM_ITEMS, EMB), dtype=jnp.float32) * 0.01
    Um = jax.random.normal(ks[4], (NUM_USERS, EMB), dtype=jnp.float32) * 0.01
    Im = jax.random.normal(ks[5], (NUM_ITEMS, EMB), dtype=jnp.float32) * 0.01
    def xavier(k, shape):
        fan_in, fan_out = shape[1], shape[0]
        limit = np.sqrt(6.0 / (fan_in + fan_out))
        return jax.random.uniform(k, shape, dtype=jnp.float32, minval=-limit, maxval=limit)
    W1 = xavier(ks[6], (HID[0], EMB * 2)); b1 = jnp.zeros((HID[0],), jnp.float32)
    W2 = xavier(ks[7], (HID[1], HID[0])); b2 = jnp.zeros((HID[1],), jnp.float32)
    W3 = xavier(ks[8], (HID[2], HID[1])); b3 = jnp.zeros((HID[2],), jnp.float32)
    Wp = xavier(ks[9], (1, EMB + HID[2])); bp = jnp.zeros((1,), jnp.float32)
    return {"user_ids": user_ids, "item_ids": item_ids, "Ug": Ug, "Ig": Ig, "Um": Um, "Im": Im,
            "W1": W1, "b1": b1, "W2": W2, "b2": b2, "W3": W3, "b3": b3, "Wp": Wp, "bp": bp}


def reference(user_ids, item_ids, Ug, Ig, Um, Im, W1, b1, W2, b2, W3, b3, Wp, bp):
    # GMF branch: embedding gathers + elementwise product
    user_emb_gmf = jnp.take(Ug, user_ids, axis=0)
    item_emb_gmf = jnp.take(Ig, item_ids, axis=0)
    gmf_output = user_emb_gmf * item_emb_gmf
    # MLP branch: embedding gathers + concat + MLP (dropout is identity in eval)
    user_emb_mlp = jnp.take(Um, user_ids, axis=0)
    item_emb_mlp = jnp.take(Im, item_ids, axis=0)
    x = jnp.concatenate([user_emb_mlp, item_emb_mlp], axis=-1)
    x = jax.nn.relu(x @ W1.T + b1)
    x = jax.nn.relu(x @ W2.T + b2)
    x = jax.nn.relu(x @ W3.T + b3)
    final_input = jnp.concatenate([gmf_output, x], axis=-1)
    prediction = jax.nn.sigmoid(final_input @ Wp.T + bp)
    return jnp.squeeze(prediction, axis=-1)

if __name__ == "__main__":
    import jax
    _d = setup_inputs()
    print(jax.jit(kernel)(*tuple(_d.values())))

</pallas_src>

<mosaic_0001>
#map = affine_map<(d0, d1) -> (0)>
#map1 = affine_map<(d0, d1) -> (0, 0)>
module attributes {stable_mosaic.version = 14 : i64} {
  func.func @k(%arg0: i32, %arg1: i32, %arg2: memref<16384xi32, #tpu.memory_space<hbm>>, %arg3: memref<100000x128xf32, #tpu.memory_space<hbm>>, %arg4: memref<16384x128xf32, #tpu.memory_space<hbm>>, %arg5: memref<512xi32, #tpu.memory_space<vmem>>, %arg6: memref<512x128xf32, #tpu.memory_space<vmem>>, %arg7: memref<!tpu.dma_semaphore, #tpu.memory_space<semaphore_mem>>) attributes {dimension_semantics = [#tpu.dimension_semantics<core_parallel>, #tpu.dimension_semantics<subcore_parallel>], iteration_bounds = array<i64: 2, 16>, scalar_prefetch = 0 : i64, scratch_operands = 3 : i64, tpu.core_type = #tpu.core_type<sc_vector_subcore>, window_params = [{transform_indices = #map}, {transform_indices = #map1}, {transform_indices = #map1}]} {
    %mul3A = arith.constant 2 : i32
    %mul3A_0 = arith.muli %arg1, %mul3A : i32
    %add3A = arith.addi %mul3A_0, %arg0 : i32
    %mul3A_1 = arith.constant 512 : i32
    %mul3A_2 = arith.muli %add3A, %mul3A_1 : i32
    "tpu.region"() ({
      %run_scoped3A = tpu.sem_alloc : memref<!tpu.dma_semaphore, #tpu.memory_space<semaphore_mem>>
      %dma_start3A_7 = tpu.memref_slice %arg2[%mul3A_2] : memref<16384xi32, #tpu.memory_space<hbm>> -> memref<512xi32, #tpu.memory_space<hbm>>
      %dma_start3A_8 = tpu.memref_slice %arg2[%mul3A_2] : memref<16384xi32, #tpu.memory_space<hbm>> -> memref<512xi32, #tpu.memory_space<hbm>>
      tpu.enqueue_dma source(%dma_start3A_8 : memref<512xi32, #tpu.memory_space<hbm>>) target(%arg5 : memref<512xi32, #tpu.memory_space<vmem>>) target_semaphore(%run_scoped3A : memref<!tpu.dma_semaphore, #tpu.memory_space<semaphore_mem>>)
      %dma_wait3A_9 = tpu.memref_slice %arg2[%mul3A_2] : memref<16384xi32, #tpu.memory_space<hbm>> -> memref<512xi32, #tpu.memory_space<hbm>>
      %dma_wait3A_10 = tpu.memref_slice %arg2[%mul3A_2] : memref<16384xi32, #tpu.memory_space<hbm>> -> memref<512xi32, #tpu.memory_space<hbm>>
      tpu.wait_dma2 semaphore(%run_scoped3A : memref<!tpu.dma_semaphore, #tpu.memory_space<semaphore_mem>>) src(%dma_wait3A_10 : memref<512xi32, #tpu.memory_space<hbm>>) dst(%arg5 : memref<512xi32, #tpu.memory_space<vmem>>)
      tpu.yield
    }) : () -> ()
    %dma_start3A = arith.constant 0 : i32
    %dma_start3A_3 = arith.constant 0 : i32
    %dma_start3A_4 = tpu.memref_slice %arg3[%dma_start3A, %dma_start3A_3] : memref<100000x128xf32, #tpu.memory_space<hbm>> -> memref<100000x128xf32, #tpu.memory_space<hbm>>
    tpu.enqueue_indirect_dma source(%dma_start3A_4 : memref<100000x128xf32, #tpu.memory_space<hbm>>) target(%arg6 : memref<512x128xf32, #tpu.memory_space<vmem>>) offsets(%arg5 : memref<512xi32, #tpu.memory_space<vmem>>) semaphore(%arg7 : memref<!tpu.dma_semaphore, #tpu.memory_space<semaphore_mem>>)
    %dma_wait3A = arith.constant 0 : i32
    %dma_wait3A_5 = arith.constant 0 : i32
    %dma_wait3A_6 = tpu.memref_slice %arg3[%dma_wait3A, %dma_wait3A_5] : memref<100000x128xf32, #tpu.memory_space<hbm>> -> memref<100000x128xf32, #tpu.memory_space<hbm>>
    tpu.wait_indirect_dma semaphore(%arg7 : memref<!tpu.dma_semaphore, #tpu.memory_space<semaphore_mem>>) src(%dma_wait3A_6 : memref<100000x128xf32, #tpu.memory_space<hbm>>) dst(%arg6 : memref<512x128xf32, #tpu.memory_space<vmem>>)
    "tpu.region"() ({
      %run_scoped3A = tpu.sem_alloc : memref<!tpu.dma_semaphore, #tpu.memory_space<semaphore_mem>>
      %dma_start3A_7 = arith.constant 0 : i32
      %dma_start3A_8 = tpu.memref_slice %arg4[%mul3A_2, %dma_start3A_7] : memref<16384x128xf32, #tpu.memory_space<hbm>> -> memref<512x128xf32, #tpu.memory_space<hbm>>
      %dma_start3A_9 = arith.constant 0 : i32
      %dma_start3A_10 = tpu.memref_slice %arg4[%mul3A_2, %dma_start3A_9] : memref<16384x128xf32, #tpu.memory_space<hbm>> -> memref<512x128xf32, #tpu.memory_space<hbm>>
      tpu.enqueue_dma source(%arg6 : memref<512x128xf32, #tpu.memory_space<vmem>>) target(%dma_start3A_10 : memref<512x128xf32, #tpu.memory_space<hbm>>) target_semaphore(%run_scoped3A : memref<!tpu.dma_semaphore, #tpu.memory_space<semaphore_mem>>)
      %dma_wait3A_11 = arith.constant 0 : i32
      %dma_wait3A_12 = tpu.memref_slice %arg4[%mul3A_2, %dma_wait3A_11] : memref<16384x128xf32, #tpu.memory_space<hbm>> -> memref<512x128xf32, #tpu.memory_space<hbm>>
      %dma_wait3A_13 = arith.constant 0 : i32
      %dma_wait3A_14 = tpu.memref_slice %arg4[%mul3A_2, %dma_wait3A_13] : memref<16384x128xf32, #tpu.memory_space<hbm>> -> memref<512x128xf32, #tpu.memory_space<hbm>>
      tpu.wait_dma2 semaphore(%run_scoped3A : memref<!tpu.dma_semaphore, #tpu.memory_space<semaphore_mem>>) src(%arg6 : memref<512x128xf32, #tpu.memory_space<vmem>>) dst(%dma_wait3A_14 : memref<512x128xf32, #tpu.memory_space<hbm>>)
      tpu.yield
    }) : () -> ()
    return
  }
}

#map = affine_map<(d0, d1) -> (0)>
#map1 = affine_map<(d0, d1) -> (0, 0)>
module attributes {stable_mosaic.version = 14 : i64} {
  func.func @k(%arg0: i32, %arg1: i32, %arg2: memref<16384xi32, #tpu.memory_space<hbm>>, %arg3: memref<100000x128xf32, #tpu.memory_space<hbm>>, %arg4: memref<16384x128xf32, #tpu.memory_space<hbm>>, %arg5: memref<512xi32, #tpu.memory_space<vmem>>, %arg6: memref<512x128xf32, #tpu.memory_space<vmem>>, %arg7: memref<!tpu.dma_semaphore, #tpu.memory_space<semaphore_mem>>) attributes {dimension_semantics = [#tpu.dimension_semantics<core_parallel>, #tpu.dimension_semantics<subcore_parallel>], iteration_bounds = array<i64: 2, 16>, scalar_prefetch = 0 : i64, scratch_operands = 3 : i64, tpu.core_type = #tpu.core_type<sc_vector_subcore>, window_params = [{transform_indices = #map}, {transform_indices = #map1}, {transform_indices = #map1}]} {
    %mul3A = arith.constant 2 : i32
    %mul3A_0 = arith.muli %arg1, %mul3A : i32
    %add3A = arith.addi %mul3A_0, %arg0 : i32
    %mul3A_1 = arith.constant 512 : i32
    %mul3A_2 = arith.muli %add3A, %mul3A_1 : i32
    "tpu.region"() ({
      %run_scoped3A = tpu.sem_alloc : memref<!tpu.dma_semaphore, #tpu.memory_space<semaphore_mem>>
      %dma_start3A_7 = tpu.memref_slice %arg2[%mul3A_2] : memref<16384xi32, #tpu.memory_space<hbm>> -> memref<512xi32, #tpu.memory_space<hbm>>
      %dma_start3A_8 = tpu.memref_slice %arg2[%mul3A_2] : memref<16384xi32, #tpu.memory_space<hbm>> -> memref<512xi32, #tpu.memory_space<hbm>>
      tpu.enqueue_dma source(%dma_start3A_8 : memref<512xi32, #tpu.memory_space<hbm>>) target(%arg5 : memref<512xi32, #tpu.memory_space<vmem>>) target_semaphore(%run_scoped3A : memref<!tpu.dma_semaphore, #tpu.memory_space<semaphore_mem>>)
      %dma_wait3A_9 = tpu.memref_slice %arg2[%mul3A_2] : memref<16384xi32, #tpu.memory_space<hbm>> -> memref<512xi32, #tpu.memory_space<hbm>>
      %dma_wait3A_10 = tpu.memref_slice %arg2[%mul3A_2] : memref<16384xi32, #tpu.memory_space<hbm>> -> memref<512xi32, #tpu.memory_space<hbm>>
      tpu.wait_dma2 semaphore(%run_scoped3A : memref<!tpu.dma_semaphore, #tpu.memory_space<semaphore_mem>>) src(%dma_wait3A_10 : memref<512xi32, #tpu.memory_space<hbm>>) dst(%arg5 : memref<512xi32, #tpu.memory_space<vmem>>)
      tpu.yield
    }) : () -> ()
    %dma_start3A = arith.constant 0 : i32
    %dma_start3A_3 = arith.constant 0 : i32
    %dma_start3A_4 = tpu.memref_slice %arg3[%dma_start3A, %dma_start3A_3] : memref<100000x128xf32, #tpu.memory_space<hbm>> -> memref<100000x128xf32, #tpu.memory_space<hbm>>
    tpu.enqueue_indirect_dma source(%dma_start3A_4 : memref<100000x128xf32, #tpu.memory_space<hbm>>) target(%arg6 : memref<512x128xf32, #tpu.memory_space<vmem>>) offsets(%arg5 : memref<512xi32, #tpu.memory_space<vmem>>) semaphore(%arg7 : memref<!tpu.dma_semaphore, #tpu.memory_space<semaphore_mem>>)
    %dma_wait3A = arith.constant 0 : i32
    %dma_wait3A_5 = arith.constant 0 : i32
    %dma_wait3A_6 = tpu.memref_slice %arg3[%dma_wait3A, %dma_wait3A_5] : memref<100000x128xf32, #tpu.memory_space<hbm>> -> memref<100000x128xf32, #tpu.memory_space<hbm>>
    tpu.wait_indirect_dma semaphore(%arg7 : memref<!tpu.dma_semaphore, #tpu.memory_space<semaphore_mem>>) src(%dma_wait3A_6 : memref<100000x128xf32, #tpu.memory_space<hbm>>) dst(%arg6 : memref<512x128xf32, #tpu.memory_space<vmem>>)
    "tpu.region"() ({
      %run_scoped3A = tpu.sem_alloc : memref<!tpu.dma_semaphore, #tpu.memory_space<semaphore_mem>>
      %dma_start3A_7 = arith.constant 0 : i32
      %dma_start3A_8 = tpu.memref_slice %arg4[%mul3A_2, %dma_start3A_7] : memref<16384x128xf32, #tpu.memory_space<hbm>> -> memref<512x128xf32, #tpu.memory_space<hbm>>
      %dma_start3A_9 = arith.constant 0 : i32
      %dma_start3A_10 = tpu.memref_slice %arg4[%mul3A_2, %dma_start3A_9] : memref<16384x128xf32, #tpu.memory_space<hbm>> -> memref<512x128xf32, #tpu.memory_space<hbm>>
      tpu.enqueue_dma source(%arg6 : memref<512x128xf32, #tpu.memory_space<vmem>>) target(%dma_start3A_10 : memref<512x128xf32, #tpu.memory_space<hbm>>) target_semaphore(%run_scoped3A : memref<!tpu.dma_semaphore, #tpu.memory_space<semaphore_mem>>)
      %dma_wait3A_11 = arith.constant 0 : i32
      %dma_wait3A_12 = tpu.memref_slice %arg4[%mul3A_2, %dma_wait3A_11] : memref<16384x128xf32, #tpu.memory_space<hbm>> -> memref<512x128xf32, #tpu.memory_space<hbm>>
      %dma_wait3A_13 = arith.constant 0 : i32
      %dma_wait3A_14 = tpu.memref_slice %arg4[%mul3A_2, %dma_wait3A_13] : memref<16384x128xf32, #tpu.memory_space<hbm>> -> memref<512x128xf32, #tpu.memory_space<hbm>>
      tpu.wait_dma2 semaphore(%run_scoped3A : memref<!tpu.dma_semaphore, #tpu.memory_space<semaphore_mem>>) src(%arg6 : memref<512x128xf32, #tpu.memory_space<vmem>>) dst(%dma_wait3A_14 : memref<512x128xf32, #tpu.memory_space<hbm>>)
      tpu.yield
    }) : () -> ()
    return
  }
}

module attributes {stable_mosaic.version = 14 : i64} {
  func.func @body(%arg0: i32, %arg1: memref<2048x128xf32, #tpu.memory_space<vmem>>, %arg2: memref<2048x128xf32, #tpu.memory_space<vmem>>, %arg3: memref<64x128xf32, #tpu.memory_space<vmem>>, %arg4: memref<64x128xf32, #tpu.memory_space<vmem>>, %arg5: memref<1x128xf32, #tpu.memory_space<vmem>>, %arg6: memref<128x64xf32, #tpu.memory_space<vmem>>, %arg7: memref<1x64xf32, #tpu.memory_space<vmem>>, %arg8: memref<64x32xf32, #tpu.memory_space<vmem>>, %arg9: memref<1x32xf32, #tpu.memory_space<vmem>>, %arg10: memref<1x64xf32, #tpu.memory_space<vmem>>, %arg11: memref<1x32xf32, #tpu.memory_space<vmem>>, %arg12: memref<1x1xf32, #tpu.memory_space<vmem>>, %arg13: memref<2048x1xf32, #tpu.memory_space<vmem>>) attributes {dimension_semantics = [#tpu.dimension_semantics<arbitrary>], iteration_bounds = array<i64: 8>, scalar_prefetch = 0 : i64, scratch_operands = 0 : i64, tpu.core_type = #tpu.core_type<tc>, window_params = [{transform_indices = @transform_0, window_bounds = array<i64: 2048, 128>}, {transform_indices = @transform_1, window_bounds = array<i64: 2048, 128>}, {pipeline_mode = #tpu.pipeline_mode<synchronous>, transform_indices = @transform_2, window_bounds = array<i64: 64, 128>}, {pipeline_mode = #tpu.pipeline_mode<synchronous>, transform_indices = @transform_3, window_bounds = array<i64: 64, 128>}, {pipeline_mode = #tpu.pipeline_mode<synchronous>, transform_indices = @transform_4, window_bounds = array<i64: 1, 128>}, {pipeline_mode = #tpu.pipeline_mode<synchronous>, transform_indices = @transform_5, window_bounds = array<i64: 128, 64>}, {pipeline_mode = #tpu.pipeline_mode<synchronous>, transform_indices = @transform_6, window_bounds = array<i64: 1, 64>}, {pipeline_mode = #tpu.pipeline_mode<synchronous>, transform_indices = @transform_7, window_bounds = array<i64: 64, 32>}, {pipeline_mode = #tpu.pipeline_mode<synchronous>, transform_indices = @transform_8, window_bounds = array<i64: 1, 32>}, {pipeline_mode = #tpu.pipeline_mode<synchronous>, transform_indices = @transform_9, window_bounds = array<i64: 1, 64>}, {pipeline_mode = #tpu.pipeline_mode<synchronous>, transform_indices = @transform_10, window_bounds = array<i64: 1, 32>}, {pipeline_mode = #tpu.pipeline_mode<synchronous>, transform_indices = @transform_11, window_bounds = array<i64: 1, 1>}, {transform_indices = @transform_12, window_bounds = array<i64: 2048, 1>}]} {
    %get3A = arith.constant 0 : index
    %get3A_0 = arith.constant 0 : index
    %get3A_1 = vector.load %arg1[%get3A, %get3A_0] : memref<2048x128xf32, #tpu.memory_space<vmem>>, vector<2048x128xf32>
    %get3A_2 = arith.constant 0 : index
    %get3A_3 = arith.constant 0 : index
    %get3A_4 = vector.load %arg2[%get3A_2, %get3A_3] : memref<2048x128xf32, #tpu.memory_space<vmem>>, vector<2048x128xf32>
    %slice3A = vector.extract_strided_slice %get3A_1 {offsets = [0, 64], sizes = [2048, 64], strides = [1, 1]} : vector<2048x128xf32> to vector<2048x64xf32>
    %slice3A_5 = vector.extract_strided_slice %get3A_4 {offsets = [0, 64], sizes = [2048, 64], strides = [1, 1]} : vector<2048x128xf32> to vector<2048x64xf32>
    %slice3A_6 = vector.extract_strided_slice %get3A_1 {offsets = [0, 0], sizes = [2048, 64], strides = [1, 1]} : vector<2048x128xf32> to vector<2048x64xf32>
    %slice3A_7 = vector.extract_strided_slice %get3A_4 {offsets = [0, 0], sizes = [2048, 64], strides = [1, 1]} : vector<2048x128xf32> to vector<2048x64xf32>
    %mul3A = arith.mulf %slice3A_6, %slice3A_7 : vector<2048x64xf32>
    %get3A_8 = arith.constant 0 : index
    %get3A_9 = arith.constant 0 : index
    %get3A_10 = vector.load %arg3[%get3A_8, %get3A_9] : memref<64x128xf32, #tpu.memory_space<vmem>>, vector<64x128xf32>
    %dot_general3A = arith.constant dense<0.000000e+00> : vector<2048x128xf32>
    %dot_general3A_11 = tpu.matmul %slice3A, %get3A_10, %dot_general3A {dimension_numbers = #tpu.dot_dimension_numbers<[1], [0], [0], [1], [0, 0, 1, 1], [], []>, transpose_lhs_hint = false} : vector<2048x64xf32>, vector<64x128xf32>, vector<2048x128xf32> -> vector<2048x128xf32>
    %get3A_12 = arith.constant 0 : index
    %get3A_13 = arith.constant 0 : index
    %get3A_14 = vector.load %arg4[%get3A_12, %get3A_13] : memref<64x128xf32, #tpu.memory_space<vmem>>, vector<64x128xf32>
    %dot_general3A_15 = arith.constant dense<0.000000e+00> : vector<2048x128xf32>
    %dot_general3A_16 = tpu.matmul %slice3A_5, %get3A_14, %dot_general3A_15 {dimension_numbers = #tpu.dot_dimension_numbers<[1], [0], [0], [1], [0, 0, 1, 1], [], []>, transpose_lhs_hint = false} : vector<2048x64xf32>, vector<64x128xf32>, vector<2048x128xf32> -> vector<2048x128xf32>
    %add3A = arith.addf %dot_general3A_11, %dot_general3A_16 : vector<2048x128xf32>
    %get3A_17 = arith.constant 0 : index
    %get3A_18 = arith.constant 0 : index
    %get3A_19 = vector.load %arg5[%get3A_17, %get3A_18] : memref<1x128xf32, #tpu.memory_space<vmem>>, vector<1x128xf32>
    %add3A_20 = vector.broadcast %get3A_19 : vector<1x128xf32> to vector<2048x128xf32>
    %add3A_21 = arith.addf %add3A, %add3A_20 : vector<2048x128xf32>
    %max3A = arith.constant 0.000000e+00 : f32
    %max3A_22 = vector.broadcast %max3A : f32 to vector<2048x128xf32>
    %max3A_23 = arith.maximumf %add3A_21, %max3A_22 : vector<2048x128xf32>
    %get3A_24 = arith.constant 0 : index
    %get3A_25 = arith.constant 0 : index
    %get3A_26 = vector.load %arg6[%get3A_24, %get3A_25] : memref<128x64xf32, #tpu.memory_space<vmem>>, vector<128x64xf32>
    %dot_general3A_27 = arith.constant dense<0.000000e+00> : vector<2048x64xf32>
    %dot_general3A_28 = tpu.matmul %max3A_23, %get3A_26, %dot_general3A_27 {dimension_numbers = #tpu.dot_dimension_numbers<[1], [0], [0], [1], [0, 0, 1, 1], [], []>, transpose_lhs_hint = false} : vector<2048x128xf32>, vector<128x64xf32>, vector<2048x64xf32> -> vector<2048x64xf32>
    %get3A_29 = arith.constant 0 : index
    %get3A_30 = arith.constant 0 : index
    %get3A_31 = vector.load %arg7[%get3A_29, %get3A_30] : memref<1x64xf32, #tpu.memory_space<vmem>>, vector<1x64xf32>
    %add3A_32 = vector.broadcast %get3A_31 : vector<1x64xf32> to vector<2048x64xf32>
    %add3A_33 = arith.addf %dot_general3A_28, %add3A_32 : vector<2048x64xf32>
    %max3A_34 = arith.constant 0.000000e+00 : f32
    %max3A_35 = vector.broadcast %max3A_34 : f32 to vector<2048x64xf32>
    %max3A_36 = arith.maximumf %add3A_33, %max3A_35 : vector<2048x64xf32>
    %get3A_37 = arith.constant 0 : index
    %get3A_38 = arith.constant 0 : index
    %get3A_39 = vector.load %arg8[%get3A_37, %get3A_38] : memref<64x32xf32, #tpu.memory_space<vmem>>, vector<64x32xf32>
    %dot_general3A_40 = arith.constant dense<0.000000e+00> : vector<2048x32xf32>
    %dot_general3A_41 = tpu.matmul %max3A_36, %get3A_39, %dot_general3A_40 {dimension_numbers = #tpu.dot_dimension_numbers<[1], [0], [0], [1], [0, 0, 1, 1], [], []>, transpose_lhs_hint = false} : vector<2048x64xf32>, vector<64x32xf32>, vector<2048x32xf32> -> vector<2048x32xf32>
    %get3A_42 = arith.constant 0 : index
    %get3A_43 = arith.constant 0 : index
    %get3A_44 = vector.load %arg9[%get3A_42, %get3A_43] : memref<1x32xf32, #tpu.memory_space<vmem>>, vector<1x32xf32>
    %add3A_45 = vector.broadcast %get3A_44 : vector<1x32xf32> to vector<2048x32xf32>
    %add3A_46 = arith.addf %dot_general3A_41, %add3A_45 : vector<2048x32xf32>
    %max3A_47 = arith.constant 0.000000e+00 : f32
    %max3A_48 = vector.broadcast %max3A_47 : f32 to vector<2048x32xf32>
    %max3A_49 = arith.maximumf %add3A_46, %max3A_48 : vector<2048x32xf32>
    %get3A_50 = arith.constant 0 : index
    %get3A_51 = arith.constant 0 : index
    %get3A_52 = vector.load %arg10[%get3A_50, %get3A_51] : memref<1x64xf32, #tpu.memory_space<vmem>>, vector<1x64xf32>
    %mul3A_53 = vector.broadcast %get3A_52 : vector<1x64xf32> to vector<2048x64xf32>
    %mul3A_54 = arith.mulf %mul3A, %mul3A_53 : vector<2048x64xf32>
    %reduce_sum3A = arith.constant dense<0.000000e+00> : vector<2048xf32>
    %reduce_sum3A_55 = vector.multi_reduction <add>, %mul3A_54, %reduce_sum3A [1] : vector<2048x64xf32> to vector<2048xf32>
    %broadcast_in_dim3A = vector.shape_cast %reduce_sum3A_55 : vector<2048xf32> to vector<2048x1xf32>
    %get3A_56 = arith.constant 0 : index
    %get3A_57 = arith.constant 0 : index
    %get3A_58 = vector.load %arg11[%get3A_56, %get3A_57] : memref<1x32xf32, #tpu.memory_space<vmem>>, vector<1x32xf32>
    %mul3A_59 = vector.broadcast %get3A_58 : vector<1x32xf32> to vector<2048x32xf32>
    %mul3A_60 = arith.mulf %max3A_49, %mul3A_59 : vector<2048x32xf32>
    %reduce_sum3A_61 = arith.constant dense<0.000000e+00> : vector<2048xf32>
    %reduce_sum3A_62 = vector.multi_reduction <add>, %mul3A_60, %reduce_sum3A_61 [1] : vector<2048x32xf32> to vector<2048xf32>
    %broadcast_in_dim3A_63 = vector.shape_cast %reduce_sum3A_62 : vector<2048xf32> to vector<2048x1xf32>
    %add3A_64 = arith.addf %broadcast_in_dim3A, %broadcast_in_dim3A_63 : vector<2048x1xf32>
    %get3A_65 = arith.constant 0 : index
    %get3A_66 = arith.constant 0 : index
    %get3A_67 = vector.load %arg12[%get3A_65, %get3A_66] : memref<1x1xf32, #tpu.memory_space<vmem>>, vector<1x1xf32>
    %get3A_68 = vector.extract %get3A_67[0, 0] : f32 from vector<1x1xf32>
    %add3A_69 = vector.broadcast %get3A_68 : f32 to vector<2048x1xf32>
    %add3A_70 = arith.addf %add3A_64, %add3A_69 : vector<2048x1xf32>
    %neg3A = arith.constant 0.000000e+00 : f32
    %neg3A_71 = vector.broadcast %neg3A : f32 to vector<2048x1xf32>
    %neg3A_72 = arith.subf %neg3A_71, %add3A_70 : vector<2048x1xf32>
    %exp3A = math.exp %neg3A_72 : vector<2048x1xf32>
    %add3A_73 = arith.constant 1.000000e+00 : f32
    %add3A_74 = vector.broadcast %add3A_73 : f32 to vector<2048x1xf32>
    %add3A_75 = arith.addf %add3A_74, %exp3A : vector<2048x1xf32>
    %div3A = arith.constant 1.000000e+00 : f32
    %div3A_76 = vector.broadcast %div3A : f32 to vector<2048x1xf32>
    %div3A_77 = arith.divf %div3A_76, %add3A_75 : vector<2048x1xf32>
    %swap3A = arith.constant 0 : index
    %swap3A_78 = arith.constant 0 : index
    %swap3A_79 = vector.load %arg13[%swap3A, %swap3A_78] : memref<2048x1xf32, #tpu.memory_space<vmem>>, vector<2048x1xf32>
    tpu.vector_store %arg13[%swap3A, %swap3A_78], %div3A_77 {strides = array<i32>} : memref<2048x1xf32, #tpu.memory_space<vmem>>, vector<2048x1xf32>,
    return
  }
  func.func @transform_0(%arg0: i32) -> (i32, i32) {
    %c0_i32 = arith.constant 0 : i32
    %c0_i32_0 = arith.constant 0 : i32
    return %arg0, %c0_i32 : i32, i32
  }
  func.func @transform_1(%arg0: i32) -> (i32, i32) {
    %c0_i32 = arith.constant 0 : i32
    %c0_i32_0 = arith.constant 0 : i32
    return %arg0, %c0_i32 : i32, i32
  }
  func.func @transform_2(%arg0: i32) -> (i32, i32) {
    %c0_i32 = arith.constant 0 : i32
    %c0_i32_0 = arith.constant 0 : i32
    %c0_i32_1 = arith.constant 0 : i32
    return %c0_i32, %c0_i32_0 : i32, i32
  }
  func.func @transform_3(%arg0: i32) -> (i32, i32) {
    %c0_i32 = arith.constant 0 : i32
    %c0_i32_0 = arith.constant 0 : i32
    %c0_i32_1 = arith.constant 0 : i32
    return %c0_i32, %c0_i32_0 : i32, i32
  }
  func.func @transform_4(%arg0: i32) -> (i32, i32) {
    %c0_i32 = arith.constant 0 : i32
    %c0_i32_0 = arith.constant 0 : i32
    %c0_i32_1 = arith.constant 0 : i32
    return %c0_i32, %c0_i32_0 : i32, i32
  }
  func.func @transform_5(%arg0: i32) -> (i32, i32) {
    %c0_i32 = arith.constant 0 : i32
    %c0_i32_0 = arith.constant 0 : i32
    %c0_i32_1 = arith.constant 0 : i32
    return %c0_i32, %c0_i32_0 : i32, i32
  }
  func.func @transform_6(%arg0: i32) -> (i32, i32) {
    %c0_i32 = arith.constant 0 : i32
    %c0_i32_0 = arith.constant 0 : i32
    %c0_i32_1 = arith.constant 0 : i32
    return %c0_i32, %c0_i32_0 : i32, i32
  }
  func.func @transform_7(%arg0: i32) -> (i32, i32) {
    %c0_i32 = arith.constant 0 : i32
    %c0_i32_0 = arith.constant 0 : i32
    %c0_i32_1 = arith.constant 0 : i32
    return %c0_i32, %c0_i32_0 : i32, i32
  }
  func.func @transform_8(%arg0: i32) -> (i32, i32) {
    %c0_i32 = arith.constant 0 : i32
    %c0_i32_0 = arith.constant 0 : i32
    %c0_i32_1 = arith.constant 0 : i32
    return %c0_i32, %c0_i32_0 : i32, i32
  }
  func.func @transform_9(%arg0: i32) -> (i32, i32) {
    %c0_i32 = arith.constant 0 : i32
    %c0_i32_0 = arith.constant 0 : i32
    %c0_i32_1 = arith.constant 0 : i32
    return %c0_i32, %c0_i32_0 : i32, i32
  }
  func.func @transform_10(%arg0: i32) -> (i32, i32) {
    %c0_i32 = arith.constant 0 : i32
    %c0_i32_0 = arith.constant 0 : i32
    %c0_i32_1 = arith.constant 0 : i32
    return %c0_i32, %c0_i32_0 : i32, i32
  }
  func.func @transform_11(%arg0: i32) -> (i32, i32) {
    %c0_i32 = arith.constant 0 : i32
    %c0_i32_0 = arith.constant 0 : i32
    %c0_i32_1 = arith.constant 0 : i32
    return %c0_i32, %c0_i32_0 : i32, i32
  }
  func.func @transform_12(%arg0: i32) -> (i32, i32) {
    %c0_i32 = arith.constant 0 : i32
    %c0_i32_0 = arith.constant 0 : i32
    return %arg0, %c0_i32 : i32, i32
  }
}

</mosaic_0001>

<sc_bundles>
// kernel: kernel.5.cloned.1.call-start
scs
__scs_entry_jumppad:
0x0: {  	(pc) =	sbr.rel $0x88, $3  }
0x1: {  	(tag) =	ssettag $0x0;
	lr =	simm.s32 $0x1  }
0x2: {  	[smem:$0x3F93] =	sst lr;
	_ =	strace $0xD0000000  }
0x3: {  	_ = 	snop  }
0x4: {  	_ = 	snop  }
0x5: {  	_ = 	snop  }
0x6: {  	_ = 	snop  }
0x7: {  	_ = 	snop  }
__scs_overlays_trampoline_lowered:
0x8: {  	[smem:$0x3FA2] =	sst s0  }
0x9: {  	[smem:$0x3FA3] =	sst s1  }
0xa: {  	[smem:$0x3FA4] =	sst s2  }
0xb: {  	[smem:$0x3FA5] =	sst s3  }
0xc: {  	[smem:$0x3FA6] =	sst s4  }
0xd: {  	[smem:$0x3FA7] =	sst s5  }
0xe: {  	[smem:$0x3FA8] =	sst s6  }
0xf: {  	[smem:$0x3FA9] =	sst s7  }
0x10: {  	[smem:$0x3FAA] =	sst s8  }
0x11: {  	[smem:$0x3FAB] =	sst s9;
	s0 =	simm.s32 @!p0 $0x0  }
0x12: {  	s1 =	sld [smem:$0x3F91];
	s0 =	simm.s32 @p0 $0x1  }
0x13: {  	[smem:$0x3FAC] =	sst s0;
	s0 =	simm.s32 @!p1 $0x0  }
0x14: {  	s2 =	sld [smem:$0x3F90];
	s0 =	simm.s32 @p1 $0x1  }
0x15: {  	[smem:$0x3FAD] =	sst s0;
	s0 =	simm.s32 @!p2 $0x0  }
0x16: {  	s3 =	sld [smem:$0x3FDB];
	s0 =	simm.s32 @p2 $0x1  }
0x17: {  	s4 =	simm.s32 $0x1BF5;
	[smem:$0x3FAF] =	sst s0  }
0x18: {  	s0 =	sld [smem:$0x3F92];
	_ =	swait.ge [sflag:s4], $0x0  }
0x19: {  	s7 =	sld [smem:$0x3F93]  }
0x1a: {  	s8 =	sadd.s32 $0xFFFFE003, lr  }
0x1b: {  	s9 =	sadd.s32 $0xFFFFFEF7, lr;
	s5 =	simm.s32 $0xFFFFFFFF;
	p2 =	slt.u32 s8, $0xFFFFF086  }
0x1c: {  	p1 =	slt.u32 s9, $0xF7A;
	s5 =	simm.s32 @!p2 $0x0  }
0x1d: {  	s5 =	simm.s32 @p1 $0x1;
	p0 =	seq.s32 s7, s2  }
0x1e: {  	s7 =	smul.u32 @!p0 $0xF7A, s2;
	p2 =	seq.s32 @!p0 s5, $0x0  }
0x1f: {  	s9 =	smul.u32 $0xF7A, s1;
	s8 =	simm.s32 @!p0 $0x1BF5;
	p2 =	por !p2, p0  }
0x20: {  	[sflag:s8] =	ssyncset.s32 @!p0 $0xFFFFF086;
	s6 =	sadd.s32 @!p0 s3, s7;
	s7 =	simm.s32 @!p0 $0x108  }
0x21: {  	s3 =	sadd.s32 s3, s9;
	s6 =	sadd.s32 @!p0 $0x88, s6;
	s7 =	simm.s32 @p2 $0x1082  }
0x22: {  	[simem:s7], [sflag:s8] =	dma.local @!p0 [hbm:s6], $0xF7A  }
0x23: {  	s9 =	sor.u32 $0xD0000000, s2;
	s6 =	simm.s32 $0x108;
	_ =	swait.ge @!p0 [sflag:s8], $0x0  }
0x24: {  	s3 =	sadd.s32 $0x88, s3;
	s6 =	simm.s32 @!p1 $0x1082;
	[sflag:s4] =	ssyncset.s32 $0xFFFFF086  }
0x25: {  	[simem:s6], [sflag:s4] =	dma.local [hbm:s3], $0xF7A  }
0x26: {  	[smem:$0x3F93] =	sst s1;
	(tag) =	ssettag s2;
	_ =	strace s9  }
0x27: {  	s1 =	sld [smem:$0x3FA3]  }
0x28: {  	s2 =	sld [smem:$0x3FA4]  }
0x29: {  	s4 =	sld [smem:$0x3FA6]  }
0x2a: {  	p0 =	seq.s32 s5, $0x0;
	s5 =	sld [smem:$0x3FA7]  }
0x2b: {  	s6 =	sld [smem:$0x3FA8]  }
0x2c: {  	s7 =	sld [smem:$0x3FA9]  }
0x2d: {  	s3 =	simm.s32 $0x108;
	s8 =	sld [smem:$0x3FAA]  }
0x2e: {  	s3 =	simm.s32 @!p0 $0x1082;
	s9 =	sld [smem:$0x3FAB]  }
0x2f: {  	lr =	sadd.s32 s0, s3;
	s0 =	sld [smem:$0x3FA2]  }
0x30: {  	s3 =	sld [smem:$0x3FA5]  }
0x31: {  	[smem:$0x3FAE] =	sst s10  }
0x32: {  	s10 =	sld [smem:$0x3FAC];
	_ =	sdelay $0x3  }
0x33: {  	p0 =	seq.s32 s10, $0x1;
	s10 =	sld [smem:$0x3FAE];
	_ =	sdelay $0x3  }
0x34: {  	[smem:$0x3FAE] =	sst s10  }
0x35: {  	s10 =	sld [smem:$0x3FAD];
	_ =	sdelay $0x3  }
0x36: {  	p1 =	seq.s32 s10, $0x1;
	s10 =	sld [smem:$0x3FAE];
	_ =	sdelay $0x3  }
0x37: {  	[smem:$0x3FAE] =	sst s10  }
0x38: {  	s10 =	sld [smem:$0x3FAF]  }
0x39: {  	_ = 	snop;
	(pc) =	sbr.ind lr, $3  }
0x3a: {  	_ = 	snop  }
0x3b: {  	_ = 	snop  }
0x3c: {  	p2 =	seq.s32 s10, $0x1;
	s10 =	sld [smem:$0x3FAE]  }
0x3d: {  	_ =	shalt  }
0x3e: {  	_ =	shalt  }
0x3f: {  	_ =	shalt  }
0x40: {  	_ =	shalt  }
0x41: {  	_ =	shalt  }
0x42: {  	_ =	shalt  }
0x43: {  	_ =	shalt  }
0x44: {  	_ =	shalt  }
0x45: {  	_ =	shalt  }
0x46: {  	_ =	shalt  }
0x47: {  	_ =	shalt  }
0x48: {  	_ =	shalt  }
0x49: {  	_ =	shalt  }
0x4a: {  	_ =	shalt  }
0x4b: {  	_ =	shalt  }
0x4c: {  	_ =	shalt  }
0x4d: {  	_ =	shalt  }
0x4e: {  	_ =	shalt  }
0x4f: {  	_ =	shalt  }
0x50: {  	_ =	shalt  }
0x51: {  	_ =	shalt  }
0x52: {  	_ =	shalt  }
0x53: {  	_ =	shalt  }
0x54: {  	_ =	shalt  }
0x55: {  	_ =	shalt  }
0x56: {  	_ =	shalt  }
0x57: {  	_ =	shalt  }
0x58: {  	_ =	shalt  }
0x59: {  	_ =	shalt  }
0x5a: {  	_ =	shalt  }
0x5b: {  	_ =	shalt  }
0x5c: {  	_ =	shalt  }
0x5d: {  	_ =	shalt  }
0x5e: {  	_ =	shalt  }
0x5f: {  	_ =	shalt  }
0x60: {  	_ =	shalt  }
0x61: {  	_ =	shalt  }
0x62: {  	_ =	shalt  }
0x63: {  	_ =	shalt  }
0x64: {  	_ =	shalt  }
0x65: {  	_ =	shalt  }
0x66: {  	_ =	shalt  }
0x67: {  	_ =	shalt  }
0x68: {  	_ =	shalt  }
0x69: {  	_ =	shalt  }
0x6a: {  	_ =	shalt  }
0x6b: {  	_ =	shalt  }
0x6c: {  	_ =	shalt  }
0x6d: {  	_ =	shalt  }
0x6e: {  	_ =	shalt  }
0x6f: {  	_ =	shalt  }
0x70: {  	_ =	shalt  }
0x71: {  	_ =	shalt  }
0x72: {  	_ =	shalt  }
0x73: {  	_ =	shalt  }
0x74: {  	_ =	shalt  }
0x75: {  	_ =	shalt  }
0x76: {  	_ =	shalt  }
0x77: {  	_ =	shalt  }
0x78: {  	_ =	shalt  }
0x79: {  	_ =	shalt  }
0x7a: {  	_ =	shalt  }
0x7b: {  	_ =	shalt  }
0x7c: {  	_ =	shalt  }
0x7d: {  	_ =	shalt  }
0x7e: {  	_ =	shalt  }
0x7f: {  	_ =	shalt  }
0x80: {  	_ =	shalt  }
0x81: {  	_ =	shalt  }
0x82: {  	_ =	shalt  }
0x83: {  	_ =	shalt  }
0x84: {  	_ =	shalt  }
0x85: {  	_ =	shalt  }
0x86: {  	_ =	shalt  }
0x87: {  	_ =	shalt  }
.Lfunc_end0:
.L_simem_size_0:
called_computation_lowered:
.L_overlay_start_0:
0x88: {  	s2 =	sld [smem:$0x3FD9]  }
0x89: {  	s3 =	sld [smem:$0x3FFE];
	_ =	sdelay $0x1  }
0x8a: {  	s1 =	srdreg.scid  }
0x8b: {  	s0 =	sand.u32 $0x1, s1  }
0x8c: {  	s17 =	sshll.u32 s0, $0xA;
	s2 =	sadd.s32 s3, s2  }
0x8d: {  	s2 =	sadd.s32 s2, s17  }
0x8e: {  	[smem:$0x3FBA] =	sst s2  }
0x8f: {  	_ = 	snop  }
0x90: {  	s2 =	sld [smem:$0x3FC9];
	(tm) =	ssettm $0x1  }
0x91: {  	s18 =	sld [smem:$0x3FFB];
	_ =	sdelay $0x3  }
0x92: {  	_ =	strace s18  }
0x93: {  	s3 =	sld [smem:$0x3FFC];
	_ =	sdelay $0x3  }
0x94: {  	_ =	strace s3  }
0x95: {  	s3 =	sld [smem:$0x3FFD];
	_ =	sdelay $0x3  }
0x96: {  	_ =	strace s3  }
0x97: {  	_ =	strace $0x8FFFFFFF  }
0x98: {  	s19 =	sld [smem:$0x3FDB];
	_ =	sdelay $0x1  }
0x99: {  	s4 =	simm.s32 $_scs_section_size  }
0x9a: {  	s5 =	simm.s32 $_size__tile_overlayer_lowered;
	s6 =	simm.s32 $_tile_overlayer_lowered  }
0x9b: {  	s22 =	simm.s32 $0x1BFF;
	s21 =	sshll.u32 s6, $0x1;
	s3 =	sadd.s32 s4, s19  }
0x9c: {  	s7 =	simm.s32 $0x0;
	s20 =	sshll.u32 s5, $0x1;
	s5 =	sadd.s32 s21, s3  }
0x9d: {  	[timem:s7], [sflag:s22] =	dma.local [hbm:s5], s20  }
0x9e: {  	_ =	swait.ge [sflag:s22], s20  }
0x9f: {  	s4 =	ssub.s32 $0x0, s20;
	[sflag:s22] =	ssyncset.done $0x0  }
0xa0: {  	[sflag:s22] =	ssyncadd.s32 s4;
	_ =	sdelay $0x1  }
0xa1: {  	s23 =	simm.s32 $0x1B8B  }
0xa2: {  	_ =	swait.ge [sflag:s23], $0x1  }
0xa3: {  	[sflag:s23] =	ssyncset.done $0x0  }
0xa4: {  	s25 =	simm.s32 $0x1B8E;
	s24 =	sld [smem:$0x3FFE];
	[sflag:s23] =	ssyncadd.s32 $0xFFFFFFFF  }
0xa5: {  	s26 =	simm.s32 $execute0_lowered;
	[smem:$0x3FD2] =	sst s25  }
0xa6: {  	s5 =	sshll.u32 s26, $0x1;
	_ =	strace $0x80000046;
	[dreg:$0x1] =	wrdreg $0xFFFFFFFF  }
0xa7: {  	s28 =	simm.s32 $_size_execute0_lowered;
	s3 =	sadd.s32 s3, s5;
	[dreg:$0x0] =	wrdreg $0x0  }
0xa8: {  	s5 =	sshll.u32 s28, $0x1;
	[dreg:$0x2] =	wrdreg s3  }
0xa9: {  	[dreg:$0x3] =	wrdreg s5  }
0xaa: {  	[dreg:$0x4] =	wrdreg $0xC0  }
0xab: {  	_ =	task [dreg:s7], $0x5FFFF  }
0xac: {  	[dreg:$0x1] =	wrdreg $0xFFFFFFFF  }
0xad: {  	[dreg:$0x0] =	wrdreg $0x60  }
0xae: {  	[dreg:$0x2] =	wrdreg s2  }
0xaf: {  	[dreg:$0x3] =	wrdreg s24  }
0xb0: {  	[dreg:$0x4] =	wrdreg $0x9  }
0xb1: {  	_ =	task.clear_ibuf [dreg:s7], $0x5FFFF;
	_ =	strace $0x90000046  }
0xb2: {  	s29 =	simm.s32 $0x9;
	_ =	strace $0x80000048  }
0xb3: {  	_ =	swait.ge [sflag:s29], $0x1  }
0xb4: {  	[sflag:s29] =	ssyncadd.s32 $0xFFFFFFFF  }
0xb5: {  	_ =	strace $0x90000048  }
0xb6: {  	_ =	sfence  }
0xb7: {  	s30 =	sld [smem:$0x0];
	_ =	sdelay $0x2  }
0xb8: {  	s31 =	sshll.u32 s1, $0xD;
	s1 =	sshrl.u32 s1, $0x2  }
0xb9: {  	s3 =	sand.u32 $0x4000, s31;
	s1 =	sadd.s32 s1, s30  }
0xba: {  	s0 =	sor.u32 s3, s0;
	s1 =	sshll.u32 s1, $0x11  }
0xbb: {  	s0 =	sor.u32 s1, s0  }
0xbc: {  	s0 =	sadd.s32 $0x8F2B, s0  }
0xbd: {  	[sflag:s0] =	ssyncadd.remote.s32 $0x1  }
0xbe: {  	_ =	sfence.sel $0xFFFF  }
0xbf: {  	[dreg:$0x0] =	wrdreg $0xFFFFFFFF;
	(pc) =	sbr.abs _section_cstart, $3  }
0xc0: {  	[dreg:$0x1] =	wrdreg $0xFFFFFFFF  }
0xc1: {  	_ =	task.clear_ibuf [dreg:s7], $0x2FFFF;
	_ =	strace $0x9FFFFFFF  }
0xc2: {  	(tm) =	ssettm $0x7FFFFFFF  }
0xc3: {  	_ =	shalt  }
tec
execute0_lowered:
.L_overlay_start_1:
0x0: {  	(tag) =	ssettag $0x1  }
0x1: {  	s1 =	srdreg.scid  }
0x2: {  	s3 =	rddreg [dreg:$0x0];
	s0 =	stileid.u32  }
0x3: {  	s8 =	rddreg [dreg:$0x1];
	s2 =	simm.s32 $0x0;
	s6 =	sand.u32 $0x1, s1  }
0x4: {  	s4 =	sshll.u32 s0, $0xA;
	s1 =	rddreg [dreg:$0x2];
	s5 =	sshll.u32 s6, $0x9  }
0x5: {  	s7 =	simm.s32 $0x1;
	[smem:$0x7FF] =	sst s2;
	s9 =	sor.u32 s5, s4  }
0x6: {  	_ =	strace $0x80000047;
	s10 =	ssub.s32 $0x2, s6;
	s4 =	sshrl.u32 s9, $0x3  }
0x7: {  	s6 =	simm.s32 $0x200;
	s4 =	sadd.s32 s3, s4;
	s3 =	simm.s32 $0x2  }
0x8: {  	[tilespmem:s2], [sflag:$0x2] =	stream.linear.gather [hbm4b:s4+s2], $0x200, $0x38;
	[tilespmem:$0x10200] =	vst v63  }
0x9: {  	s5 =	sadd.s32 $0x312200, s8;
	s11 =	sshrl.u32 s10, $0x1;
	_ =	swait.ge [sflag:s3], $0x200  }
0xa: {  	s9 =	sshll.u32 s9, $0x4;
	s31 =	ssub.s32 s10, s11;
	[sflag:s3] =	ssyncset.done $0x0  }
0xb: {  	s8 =	sadd.s32 s9, s8;
	s9 =	smax.u32 s31, $0x1;
	[sflag:s3] =	ssyncadd.s32 $0xFFFFFE00  }
0xc: {  	[tilespmem:s6], [sflag:$0x1] =	stream.indirect.gather [hbm4b:s5+s6], $0x80, s2, s6, $0xb8;
	[tilespmem:$0x10200] =	vst v63  }
0xd: {  	p0 =	sne.s32 s9, $0x1;
	_ =	swait.ge [sflag:s7], $0x10000  }
.Ltmp0:
0xe: {  	[sflag:s7] =	ssyncset.done $0x0;
	(pc) =	sbr.rel @!p0 .LBB2_2-.Ltmp0, $4  }
0xf: {  	s8 =	sadd.s32 $0x4E00, s8;
	[sflag:s7] =	ssyncadd.s32 $0xFFFF0000  }
0x10: {  	[hbm4b:s8+s2] =	stream.linear.scatter [tilespmem:s6], [sflag:$0x2], $0x10000, $0x38;
	[tilespmem:$0x10200] =	vst v63  }
0x11: {  	_ =	swait.ge [sflag:s3], $0x10000  }
0x12: {  	s9 =	sadd.s32 $0xFFFFFFFF, s9;
	[sflag:s3] =	ssyncset.done $0x0  }
.LBB2_1:
0x13: {  	p0 =	sne.s32 s9, $0x1;
	s9 =	sadd.s32 $0xFFFFFFFF, s9;
	[sflag:s3] =	ssyncadd.s32 $0xFFFF0000  }
0x14: {  	[tilespmem:s2], [sflag:$0x2] =	stream.linear.gather [hbm4b:s4+s2], $0x200, $0x38;
	[tilespmem:$0x10200] =	vst v63  }
0x15: {  	_ =	swait.ge [sflag:s3], $0x200  }
0x16: {  	[sflag:s3] =	ssyncset.done $0x0  }
0x17: {  	[sflag:s3] =	ssyncadd.s32 $0xFFFFFE00  }
0x18: {  	[tilespmem:s6], [sflag:$0x1] =	stream.indirect.gather [hbm4b:s5+s6], $0x80, s2, s6, $0xb8;
	[tilespmem:$0x10200] =	vst v63  }
0x19: {  	_ =	swait.ge [sflag:s7], $0x10000  }
.Ltmp1:
0x1a: {  	[sflag:s7] =	ssyncset.done $0x0;
	(pc) =	sbr.rel @p0 .LBB2_1-.Ltmp1, $4  }
0x1b: {  	[sflag:s7] =	ssyncadd.s32 $0xFFFF0000  }
0x1c: {  	[hbm4b:s8+s2] =	stream.linear.scatter [tilespmem:s6], [sflag:$0x2], $0x10000, $0x38;
	[tilespmem:$0x10200] =	vst v63  }
0x1d: {  	_ =	swait.ge [sflag:s3], $0x10000  }
0x1e: {  	[sflag:s3] =	ssyncset.done $0x0  }
.LBB2_2:
0x1f: {  	[sflag:s3] =	ssyncadd.s32 $0xFFFF0000  }
0x20: {  	_ =	sfence.sel $0x180000  }
0x21: {  	[bflag:$0x0] =	sbarrier.arrive $0xFFFF  }
0x22: {  	p0 =	sne.s32 s0, $0x0;
	_ =	strace $0x90000047  }
0x23: {  	s0 =	sadd.s32 @!p0 $0x100000, s1;
	[bflag:$0x2] =	sbarrier.arrive $0xFFFF  }
0x24: {  	[sflag:s0] =	ssyncadd.tile.s32 @!p0 $0x1;
	_ =	shalt  }
.Lfunc_end2:
_tile_overlayer_lowered:
.L_overlay_start_2:
0x25: {  	(tag) =	ssettag $0x2  }
0x26: {  	s0 =	rddreg [dreg:$0x0];
	s2 =	stileid.u32  }
0x27: {  	s1 =	rddreg [dreg:$0x1];
	p0 =	sne.s32 s2, $0x0  }
0x28: {  	s3 =	rddreg [dreg:$0x2];
	[bflag:$0x3] =	sbarrier.arrive $0xFFFF;
	s2 =	simm.s32 @!p0 $0x1C02  }
0x29: {  	[timem:s3], [sflag:s2] =	dma.local @!p0 [hbm:s0], s1  }
0x2a: {  	s0 =	simm.s32 @!p0 $0x2  }
0x2b: {  	_ =	swait.ge @!p0 [sflag:s0], s1  }
0x2c: {  	s1 =	ssub.s32 @!p0 $0x0, s1;
	[sflag:s0] =	ssyncset.done @!p0 $0x0  }
0x2d: {  	[sflag:s0] =	ssyncadd.s32 @!p0 s1  }
0x2e: {  	[bflag:$0x3] =	sbarrier.arrive $0xFFFF  }
0x2f: {  	_ =	shalt  }

// kernel: kernel.8.cloned.1.call-start
scs
__scs_entry_jumppad:
0x0: {  	(pc) =	sbr.rel $0x88, $3  }
0x1: {  	(tag) =	ssettag $0x0;
	lr =	simm.s32 $0x1  }
0x2: {  	[smem:$0x3F93] =	sst lr;
	_ =	strace $0xD0000000  }
0x3: {  	_ = 	snop  }
0x4: {  	_ = 	snop  }
0x5: {  	_ = 	snop  }
0x6: {  	_ = 	snop  }
0x7: {  	_ = 	snop  }
__scs_overlays_trampoline_lowered:
0x8: {  	[smem:$0x3FA2] =	sst s0  }
0x9: {  	[smem:$0x3FA3] =	sst s1  }
0xa: {  	[smem:$0x3FA4] =	sst s2  }
0xb: {  	[smem:$0x3FA5] =	sst s3  }
0xc: {  	[smem:$0x3FA6] =	sst s4  }
0xd: {  	[smem:$0x3FA7] =	sst s5  }
0xe: {  	[smem:$0x3FA8] =	sst s6  }
0xf: {  	[smem:$0x3FA9] =	sst s7  }
0x10: {  	[smem:$0x3FAA] =	sst s8  }
0x11: {  	[smem:$0x3FAB] =	sst s9;
	s0 =	simm.s32 @!p0 $0x0  }
0x12: {  	s1 =	sld [smem:$0x3F91];
	s0 =	simm.s32 @p0 $0x1  }
0x13: {  	[smem:$0x3FAC] =	sst s0;
	s0 =	simm.s32 @!p1 $0x0  }
0x14: {  	s2 =	sld [smem:$0x3F90];
	s0 =	simm.s32 @p1 $0x1  }
0x15: {  	[smem:$0x3FAD] =	sst s0;
	s0 =	simm.s32 @!p2 $0x0  }
0x16: {  	s3 =	sld [smem:$0x3FDB];
	s0 =	simm.s32 @p2 $0x1  }
0x17: {  	s4 =	simm.s32 $0x1BF5;
	[smem:$0x3FAF] =	sst s0  }
0x18: {  	s0 =	sld [smem:$0x3F92];
	_ =	swait.ge [sflag:s4], $0x0  }
0x19: {  	s7 =	sld [smem:$0x3F93]  }
0x1a: {  	s8 =	sadd.s32 $0xFFFFE003, lr  }
0x1b: {  	s9 =	sadd.s32 $0xFFFFFEF7, lr;
	s5 =	simm.s32 $0xFFFFFFFF;
	p2 =	slt.u32 s8, $0xFFFFF086  }
0x1c: {  	p1 =	slt.u32 s9, $0xF7A;
	s5 =	simm.s32 @!p2 $0x0  }
0x1d: {  	s5 =	simm.s32 @p1 $0x1;
	p0 =	seq.s32 s7, s2  }
0x1e: {  	s7 =	smul.u32 @!p0 $0xF7A, s2;
	p2 =	seq.s32 @!p0 s5, $0x0  }
0x1f: {  	s9 =	smul.u32 $0xF7A, s1;
	s8 =	simm.s32 @!p0 $0x1BF5;
	p2 =	por !p2, p0  }
0x20: {  	[sflag:s8] =	ssyncset.s32 @!p0 $0xFFFFF086;
	s6 =	sadd.s32 @!p0 s3, s7;
	s7 =	simm.s32 @!p0 $0x108  }
0x21: {  	s3 =	sadd.s32 s3, s9;
	s6 =	sadd.s32 @!p0 $0x88, s6;
	s7 =	simm.s32 @p2 $0x1082  }
0x22: {  	[simem:s7], [sflag:s8] =	dma.local @!p0 [hbm:s6], $0xF7A  }
0x23: {  	s9 =	sor.u32 $0xD0000000, s2;
	s6 =	simm.s32 $0x108;
	_ =	swait.ge @!p0 [sflag:s8], $0x0  }
0x24: {  	s3 =	sadd.s32 $0x88, s3;
	s6 =	simm.s32 @!p1 $0x1082;
	[sflag:s4] =	ssyncset.s32 $0xFFFFF086  }
0x25: {  	[simem:s6], [sflag:s4] =	dma.local [hbm:s3], $0xF7A  }
0x26: {  	[smem:$0x3F93] =	sst s1;
	(tag) =	ssettag s2;
	_ =	strace s9  }
0x27: {  	s1 =	sld [smem:$0x3FA3]  }
0x28: {  	s2 =	sld [smem:$0x3FA4]  }
0x29: {  	s4 =	sld [smem:$0x3FA6]  }
0x2a: {  	p0 =	seq.s32 s5, $0x0;
	s5 =	sld [smem:$0x3FA7]  }
0x2b: {  	s6 =	sld [smem:$0x3FA8]  }
0x2c: {  	s7 =	sld [smem:$0x3FA9]  }
0x2d: {  	s3 =	simm.s32 $0x108;
	s8 =	sld [smem:$0x3FAA]  }
0x2e: {  	s3 =	simm.s32 @!p0 $0x1082;
	s9 =	sld [smem:$0x3FAB]  }
0x2f: {  	lr =	sadd.s32 s0, s3;
	s0 =	sld [smem:$0x3FA2]  }
0x30: {  	s3 =	sld [smem:$0x3FA5]  }
0x31: {  	[smem:$0x3FAE] =	sst s10  }
0x32: {  	s10 =	sld [smem:$0x3FAC];
	_ =	sdelay $0x3  }
0x33: {  	p0 =	seq.s32 s10, $0x1;
	s10 =	sld [smem:$0x3FAE];
	_ =	sdelay $0x3  }
0x34: {  	[smem:$0x3FAE] =	sst s10  }
0x35: {  	s10 =	sld [smem:$0x3FAD];
	_ =	sdelay $0x3  }
0x36: {  	p1 =	seq.s32 s10, $0x1;
	s10 =	sld [smem:$0x3FAE];
	_ =	sdelay $0x3  }
0x37: {  	[smem:$0x3FAE] =	sst s10  }
0x38: {  	s10 =	sld [smem:$0x3FAF]  }
0x39: {  	_ = 	snop;
	(pc) =	sbr.ind lr, $3  }
0x3a: {  	_ = 	snop  }
0x3b: {  	_ = 	snop  }
0x3c: {  	p2 =	seq.s32 s10, $0x1;
	s10 =	sld [smem:$0x3FAE]  }
0x3d: {  	_ =	shalt  }
0x3e: {  	_ =	shalt  }
0x3f: {  	_ =	shalt  }
0x40: {  	_ =	shalt  }
0x41: {  	_ =	shalt  }
0x42: {  	_ =	shalt  }
0x43: {  	_ =	shalt  }
0x44: {  	_ =	shalt  }
0x45: {  	_ =	shalt  }
0x46: {  	_ =	shalt  }
0x47: {  	_ =	shalt  }
0x48: {  	_ =	shalt  }
0x49: {  	_ =	shalt  }
0x4a: {  	_ =	shalt  }
0x4b: {  	_ =	shalt  }
0x4c: {  	_ =	shalt  }
0x4d: {  	_ =	shalt  }
0x4e: {  	_ =	shalt  }
0x4f: {  	_ =	shalt  }
0x50: {  	_ =	shalt  }
0x51: {  	_ =	shalt  }
0x52: {  	_ =	shalt  }
0x53: {  	_ =	shalt  }
0x54: {  	_ =	shalt  }
0x55: {  	_ =	shalt  }
0x56: {  	_ =	shalt  }
0x57: {  	_ =	shalt  }
0x58: {  	_ =	shalt  }
0x59: {  	_ =	shalt  }
0x5a: {  	_ =	shalt  }
0x5b: {  	_ =	shalt  }
0x5c: {  	_ =	shalt  }
0x5d: {  	_ =	shalt  }
0x5e: {  	_ =	shalt  }
0x5f: {  	_ =	shalt  }
0x60: {  	_ =	shalt  }
0x61: {  	_ =	shalt  }
0x62: {  	_ =	shalt  }
0x63: {  	_ =	shalt  }
0x64: {  	_ =	shalt  }
0x65: {  	_ =	shalt  }
0x66: {  	_ =	shalt  }
0x67: {  	_ =	shalt  }
0x68: {  	_ =	shalt  }
0x69: {  	_ =	shalt  }
0x6a: {  	_ =	shalt  }
0x6b: {  	_ =	shalt  }
0x6c: {  	_ =	shalt  }
0x6d: {  	_ =	shalt  }
0x6e: {  	_ =	shalt  }
0x6f: {  	_ =	shalt  }
0x70: {  	_ =	shalt  }
0x71: {  	_ =	shalt  }
0x72: {  	_ =	shalt  }
0x73: {  	_ =	shalt  }
0x74: {  	_ =	shalt  }
0x75: {  	_ =	shalt  }
0x76: {  	_ =	shalt  }
0x77: {  	_ =	shalt  }
0x78: {  	_ =	shalt  }
0x79: {  	_ =	shalt  }
0x7a: {  	_ =	shalt  }
0x7b: {  	_ =	shalt  }
0x7c: {  	_ =	shalt  }
0x7d: {  	_ =	shalt  }
0x7e: {  	_ =	shalt  }
0x7f: {  	_ =	shalt  }
0x80: {  	_ =	shalt  }
0x81: {  	_ =	shalt  }
0x82: {  	_ =	shalt  }
0x83: {  	_ =	shalt  }
0x84: {  	_ =	shalt  }
0x85: {  	_ =	shalt  }
0x86: {  	_ =	shalt  }
0x87: {  	_ =	shalt  }
.Lfunc_end0:
.L_simem_size_0:
called_computation.1_lowered:
.L_overlay_start_0:
0x88: {  	s2 =	sld [smem:$0x3FD9]  }
0x89: {  	s3 =	sld [smem:$0x3FFE];
	_ =	sdelay $0x1  }
0x8a: {  	s1 =	srdreg.scid  }
0x8b: {  	s0 =	sand.u32 $0x1, s1  }
0x8c: {  	s17 =	sshll.u32 s0, $0xA;
	s2 =	sadd.s32 s3, s2  }
0x8d: {  	s2 =	sadd.s32 s2, s17  }
0x8e: {  	[smem:$0x3FBA] =	sst s2  }
0x8f: {  	_ = 	snop  }
0x90: {  	s18 =	sld [smem:$0x3FC8];
	(tm) =	ssettm $0x1  }
0x91: {  	s19 =	sld [smem:$0x3FFB];
	_ =	sdelay $0x3  }
0x92: {  	_ =	strace s19  }
0x93: {  	s2 =	sld [smem:$0x3FFC];
	_ =	sdelay $0x3  }
0x94: {  	_ =	strace s2  }
0x95: {  	s2 =	sld [smem:$0x3FFD];
	_ =	sdelay $0x3  }
0x96: {  	_ =	strace s2  }
0x97: {  	_ =	strace $0x8FFFFFFF  }
0x98: {  	s20 =	sld [smem:$0x3FDB];
	_ =	sdelay $0x1  }
0x99: {  	s4 =	simm.s32 $_scs_section_size  }
0x9a: {  	s5 =	simm.s32 $_size__tile_overlayer_lowered;
	s6 =	simm.s32 $_tile_overlayer_lowered  }
0x9b: {  	s7 =	simm.s32 $0x1BFF;
	s21 =	sshll.u32 s6, $0x1;
	s4 =	sadd.s32 s4, s20  }
0x9c: {  	s22 =	simm.s32 $0x0;
	s5 =	sshll.u32 s5, $0x1;
	s6 =	sadd.s32 s21, s4  }
0x9d: {  	[timem:s22], [sflag:s7] =	dma.local [hbm:s6], s5  }
0x9e: {  	_ =	swait.ge [sflag:s7], s5  }
0x9f: {  	s5 =	ssub.s32 $0x0, s5;
	[sflag:s7] =	ssyncset.done $0x0  }
0xa0: {  	[sflag:s7] =	ssyncadd.s32 s5;
	_ =	sdelay $0x1  }
0xa1: {  	s23 =	simm.s32 $0x1B8B  }
0xa2: {  	_ =	swait.ge [sflag:s23], $0x1  }
0xa3: {  	[sflag:s23] =	ssyncset.done $0x0  }
0xa4: {  	[sflag:s23] =	ssyncadd.s32 $0xFFFFFFFF  }
0xa5: {  	s5 =	sld [smem:$0x0]  }
0xa6: {  	s6 =	sand.u32 $0xFFFFFFFE, s1  }
0xa7: {  	p0 =	sne.s32 s1, s6  }
0xa8: {  	s6 =	sshll.u32 @p0 s6, $0xE  }
0xa9: {  	s6 =	sadd.s32 @p0 $0x11B8D, s6;
	s7 =	sshll.u32 @p0 s5, $0x11  }
0xaa: {  	s6 =	sor.u32 @p0 s7, s6  }
0xab: {  	[sflag:s6] =	ssyncadd.remote.s32 @p0 $0x1;
	_ =	sdelay $0x1  }
0xac: {  	s6 =	simm.s32 @p0 $0x1B8D  }
0xad: {  	_ =	swait.eq @p0 [sflag:s6], $0x1  }
0xae: {  	[sflag:s6] =	ssyncadd.s32 @p0 $0xFFFFFFFF  }
0xaf: {  	s7 =	sshll.u32 @!p0 s1, $0xE  }
0xb0: {  	s7 =	sor.u32 @!p0 $0x4000, s7;
	s6 =	simm.s32 @!p0 $0x1B8D  }
0xb1: {  	s5 =	sshll.u32 @!p0 s5, $0x11;
	s7 =	sadd.s32 @!p0 $0x11B8D, s7;
	_ =	swait.eq @!p0 [sflag:s6], $0x1  }
0xb2: {  	s5 =	sor.u32 @!p0 s5, s7;
	[sflag:s6] =	ssyncadd.s32 @!p0 $0xFFFFFFFF  }
0xb3: {  	s25 =	simm.s32 $0x1B8E;
	s24 =	sld [smem:$0x3FFE];
	[sflag:s5] =	ssyncadd.remote.s32 @!p0 $0x1  }
0xb4: {  	s26 =	simm.s32 $execute0_lowered;
	[smem:$0x3FD2] =	sst s25  }
0xb5: {  	s6 =	sshll.u32 s26, $0x1;
	_ =	strace $0x80000049;
	[dreg:$0x1] =	wrdreg $0xFFFFFFFF  }
0xb6: {  	s28 =	simm.s32 $_size_execute0_lowered;
	s4 =	sadd.s32 s4, s6;
	[dreg:$0x0] =	wrdreg $0x0  }
0xb7: {  	s6 =	sshll.u32 s28, $0x1;
	[dreg:$0x2] =	wrdreg s4  }
0xb8: {  	[dreg:$0x3] =	wrdreg s6  }
0xb9: {  	[dreg:$0x4] =	wrdreg $0xC0  }
0xba: {  	_ =	task [dreg:s22], $0x5FFFF  }
0xbb: {  	[dreg:$0x1] =	wrdreg $0xFFFFFFFF  }
0xbc: {  	[dreg:$0x0] =	wrdreg $0x60  }
0xbd: {  	[dreg:$0x2] =	wrdreg s18  }
0xbe: {  	[dreg:$0x3] =	wrdreg s24  }
0xbf: {  	[dreg:$0x4] =	wrdreg $0xA  }
0xc0: {  	_ =	task.clear_ibuf [dreg:s22], $0x5FFFF;
	_ =	strace $0x90000049  }
0xc1: {  	s29 =	simm.s32 $0xA;
	_ =	strace $0x8000004B  }
0xc2: {  	_ =	swait.ge [sflag:s29], $0x1  }
0xc3: {  	[sflag:s29] =	ssyncadd.s32 $0xFFFFFFFF  }
0xc4: {  	_ =	strace $0x9000004B  }
0xc5: {  	_ =	sfence  }
0xc6: {  	s30 =	sld [smem:$0x0];
	_ =	sdelay $0x2  }
0xc7: {  	s31 =	sshll.u32 s1, $0xD;
	s1 =	sshrl.u32 s1, $0x2  }
0xc8: {  	s4 =	sand.u32 $0x4000, s31;
	s1 =	sadd.s32 s1, s30  }
0xc9: {  	s0 =	sor.u32 s4, s0;
	s1 =	sshll.u32 s1, $0x11  }
0xca: {  	s0 =	sor.u32 s1, s0  }
0xcb: {  	s0 =	sadd.s32 $0x8F2B, s0  }
0xcc: {  	[sflag:s0] =	ssyncadd.remote.s32 $0x1  }
0xcd: {  	_ =	sfence.sel $0xFFFF  }
0xce: {  	[dreg:$0x0] =	wrdreg $0xFFFFFFFF;
	(pc) =	sbr.abs _section_cstart, $3  }
0xcf: {  	[dreg:$0x1] =	wrdreg $0xFFFFFFFF  }
0xd0: {  	_ =	task.clear_ibuf [dreg:s22], $0x2FFFF;
	_ =	strace $0x9FFFFFFF  }
0xd1: {  	(tm) =	ssettm $0x7FFFFFFF  }
tec
execute0_lowered:
.L_overlay_start_1:
0x0: {  	(tag) =	ssettag $0x1  }
0x1: {  	s1 =	srdreg.scid  }
0x2: {  	s3 =	rddreg [dreg:$0x0];
	s0 =	stileid.u32  }
0x3: {  	s8 =	rddreg [dreg:$0x1];
	s2 =	simm.s32 $0x0;
	s6 =	sand.u32 $0x1, s1  }
0x4: {  	s4 =	sshll.u32 s0, $0xA;
	s1 =	rddreg [dreg:$0x2];
	s5 =	sshll.u32 s6, $0x9  }
0x5: {  	s7 =	simm.s32 $0x1;
	[smem:$0x7FF] =	sst s2;
	s9 =	sor.u32 s5, s4  }
0x6: {  	_ =	strace $0x8000004A;
	s10 =	ssub.s32 $0x2, s6;
	s4 =	sshrl.u32 s9, $0x3  }
0x7: {  	s6 =	simm.s32 $0x200;
	s4 =	sadd.s32 s3, s4;
	s3 =	simm.s32 $0x2  }
0x8: {  	[tilespmem:s2], [sflag:$0x2] =	stream.linear.gather [hbm4b:s4+s2], $0x200, $0x38;
	[tilespmem:$0x10200] =	vst v63  }
0x9: {  	s5 =	sadd.s32 $0x61F600, s8;
	s11 =	sshrl.u32 s10, $0x1;
	_ =	swait.ge [sflag:s3], $0x200  }
0xa: {  	s9 =	sshll.u32 s9, $0x4;
	s31 =	ssub.s32 s10, s11;
	[sflag:s3] =	ssyncset.done $0x0  }
0xb: {  	s8 =	sadd.s32 s9, s8;
	s9 =	smax.u32 s31, $0x1;
	[sflag:s3] =	ssyncadd.s32 $0xFFFFFE00  }
0xc: {  	[tilespmem:s6], [sflag:$0x1] =	stream.indirect.gather [hbm4b:s5+s6], $0x80, s2, s6, $0xb8;
	[tilespmem:$0x10200] =	vst v63  }
0xd: {  	p0 =	sne.s32 s9, $0x1;
	_ =	swait.ge [sflag:s7], $0x10000  }
.Ltmp0:
0xe: {  	[sflag:s7] =	ssyncset.done $0x0;
	(pc) =	sbr.rel @!p0 .LBB2_2-.Ltmp0, $4  }
0xf: {  	s8 =	sadd.s32 $0x498C00, s8;
	[sflag:s7] =	ssyncadd.s32 $0xFFFF0000  }
0x10: {  	[hbm4b:s8+s2] =	stream.linear.scatter [tilespmem:s6], [sflag:$0x2], $0x10000, $0x38;
	[tilespmem:$0x10200] =	vst v63  }
0x11: {  	_ =	swait.ge [sflag:s3], $0x10000  }
0x12: {  	s9 =	sadd.s32 $0xFFFFFFFF, s9;
	[sflag:s3] =	ssyncset.done $0x0  }
.LBB2_1:
0x13: {  	p0 =	sne.s32 s9, $0x1;
	s9 =	sadd.s32 $0xFFFFFFFF, s9;
	[sflag:s3] =	ssyncadd.s32 $0xFFFF0000  }
0x14: {  	[tilespmem:s2], [sflag:$0x2] =	stream.linear.gather [hbm4b:s4+s2], $0x200, $0x38;
	[tilespmem:$0x10200] =	vst v63  }
0x15: {  	_ =	swait.ge [sflag:s3], $0x200  }
0x16: {  	[sflag:s3] =	ssyncset.done $0x0  }
0x17: {  	[sflag:s3] =	ssyncadd.s32 $0xFFFFFE00  }
0x18: {  	[tilespmem:s6], [sflag:$0x1] =	stream.indirect.gather [hbm4b:s5+s6], $0x80, s2, s6, $0xb8;
	[tilespmem:$0x10200] =	vst v63  }
0x19: {  	_ =	swait.ge [sflag:s7], $0x10000  }
.Ltmp1:
0x1a: {  	[sflag:s7] =	ssyncset.done $0x0;
	(pc) =	sbr.rel @p0 .LBB2_1-.Ltmp1, $4  }
0x1b: {  	[sflag:s7] =	ssyncadd.s32 $0xFFFF0000  }
0x1c: {  	[hbm4b:s8+s2] =	stream.linear.scatter [tilespmem:s6], [sflag:$0x2], $0x10000, $0x38;
	[tilespmem:$0x10200] =	vst v63  }
0x1d: {  	_ =	swait.ge [sflag:s3], $0x10000  }
0x1e: {  	[sflag:s3] =	ssyncset.done $0x0  }
.LBB2_2:
0x1f: {  	[sflag:s3] =	ssyncadd.s32 $0xFFFF0000  }
0x20: {  	_ =	sfence.sel $0x180000  }
0x21: {  	[bflag:$0x0] =	sbarrier.arrive $0xFFFF  }
0x22: {  	p0 =	sne.s32 s0, $0x0;
	_ =	strace $0x9000004A  }
0x23: {  	s0 =	sadd.s32 @!p0 $0x100000, s1;
	[bflag:$0x2] =	sbarrier.arrive $0xFFFF  }
0x24: {  	[sflag:s0] =	ssyncadd.tile.s32 @!p0 $0x1;
	_ =	shalt  }
.Lfunc_end2:
_tile_overlayer_lowered:
.L_overlay_start_2:
0x25: {  	(tag) =	ssettag $0x2  }
0x26: {  	s0 =	rddreg [dreg:$0x0];
	s2 =	stileid.u32  }
0x27: {  	s1 =	rddreg [dreg:$0x1];
	p0 =	sne.s32 s2, $0x0  }
0x28: {  	s3 =	rddreg [dreg:$0x2];
	[bflag:$0x3] =	sbarrier.arrive $0xFFFF;
	s2 =	simm.s32 @!p0 $0x1C02  }
0x29: {  	[timem:s3], [sflag:s2] =	dma.local @!p0 [hbm:s0], s1  }
0x2a: {  	s0 =	simm.s32 @!p0 $0x2  }
0x2b: {  	_ =	swait.ge @!p0 [sflag:s0], s1  }
0x2c: {  	s1 =	ssub.s32 @!p0 $0x0, s1;
	[sflag:s0] =	ssyncset.done @!p0 $0x0  }
0x2d: {  	[sflag:s0] =	ssyncadd.s32 @!p0 s1  }
0x2e: {  	[bflag:$0x3] =	sbarrier.arrive $0xFFFF  }
0x2f: {  	_ =	shalt  }

</sc_bundles>
